<compile_context>
chip_gen: v7x
topology: tpu7x:2x2x1
jax: 0.10.2.dev20260603
libtpu: 0.0.44.dev20260713+nightly
codegen_flags: <defaults>
</compile_context>

<pallas_src>
import functools

import jax
import jax.numpy as jnp
from jax import lax
from jax.experimental import pallas as pl
from jax.experimental.pallas import tpu as pltpu
from jax.experimental.pallas import tpu_sc as plsc

NW = 32
LANES = 16


def _hist_body(npad, ept, dst_hbm, out_hbm, idx_v, acc_v):
    c = lax.axis_index("c")
    s = lax.axis_index("s")
    wid = c * 16 + s

    zeros = jnp.zeros((LANES,), jnp.float32)

    @plsc.parallel_loop(0, npad, step=LANES, unroll=8)
    def _zero(i):
        acc_v[pl.ds(i, LANES)] = zeros

    pltpu.sync_copy(dst_hbm.at[pl.ds(wid * ept, ept)], idx_v)

    ones = jnp.ones((LANES,), jnp.float32)

    @plsc.parallel_loop(0, ept, step=LANES, unroll=8)
    def _hist(j):
        idx = idx_v[pl.ds(j, LANES)]
        plsc.addupdate_scatter(acc_v, [idx], ones)

    pltpu.sync_copy(acc_v, out_hbm.at[wid])


def _sc_histogram(dst, npad):
    e = dst.shape[0]
    ept = e // NW
    mesh = plsc.VectorSubcoreMesh(core_axis_name="c", subcore_axis_name="s")
    return pl.kernel(
        functools.partial(_hist_body, npad, ept),
        out_type=jax.ShapeDtypeStruct((NW, npad), jnp.float32),
        mesh=mesh,
        compiler_params=pltpu.CompilerParams(needs_layout_passes=False),
        scratch_types=[
            pltpu.VMEM((ept,), jnp.int32),
            pltpu.VMEM((npad,), jnp.float32),
        ],
    )(dst)


def _msg_body(npad, ept, src_hbm, dst_hbm, y_hbm, out_hbm, src_v, dst_v, y_v, acc_v):
    c = lax.axis_index("c")
    s = lax.axis_index("s")
    wid = c * 16 + s

    zeros = jnp.zeros((LANES,), jnp.float32)

    @plsc.parallel_loop(0, npad, step=LANES, unroll=8)
    def _zero(i):
        acc_v[pl.ds(i, LANES)] = zeros

    pltpu.sync_copy(y_hbm, y_v)
    pltpu.sync_copy(src_hbm.at[pl.ds(wid * ept, ept)], src_v)
    pltpu.sync_copy(dst_hbm.at[pl.ds(wid * ept, ept)], dst_v)

    @plsc.parallel_loop(0, ept, step=LANES, unroll=8)
    def _msg(j):
        si = src_v[pl.ds(j, LANES)]
        di = dst_v[pl.ds(j, LANES)]
        vals = plsc.load_gather(y_v, [si])
        plsc.addupdate_scatter(acc_v, [di], vals)

    pltpu.sync_copy(acc_v, out_hbm.at[wid])


def _sc_message(src, dst, y, npad):
    e = src.shape[0]
    ept = e // NW
    mesh = plsc.VectorSubcoreMesh(core_axis_name="c", subcore_axis_name="s")
    return pl.kernel(
        functools.partial(_msg_body, npad, ept),
        out_type=jax.ShapeDtypeStruct((NW, npad), jnp.float32),
        mesh=mesh,
        compiler_params=pltpu.CompilerParams(needs_layout_passes=False),
        scratch_types=[
            pltpu.VMEM((ept,), jnp.int32),
            pltpu.VMEM((ept,), jnp.int32),
            pltpu.VMEM((npad,), jnp.float32),
            pltpu.VMEM((npad,), jnp.float32),
        ],
    )(src, dst, y)


def _d1_body(x3_ref, w_ref, degp_ref, b_ref, y_ref, dis_ref, z_ref):
    xw = jnp.sum(x3_ref[...] * w_ref[...], axis=2)
    deg = jnp.sum(degp_ref[...], axis=0) + 1.0
    dis = lax.rsqrt(deg)
    y = xw * dis
    z = dis * y + b_ref[0, 0]
    y_ref[...] = y
    dis_ref[...] = dis
    z_ref[...] = z


def _tc_dense(x3, w3, degp3, b2, npad):
    rows = npad // 128
    rb = 8
    grid = rows // rb
    vec = jax.ShapeDtypeStruct((rows, 128), jnp.float32)
    return pl.pallas_call(
        _d1_body,
        grid=(grid,),
        in_specs=[
            pl.BlockSpec((rb, 128, 128), lambda i: (i, 0, 0)),
            pl.BlockSpec((1, 1, 128), lambda i: (0, 0, 0)),
            pl.BlockSpec((NW, rb, 128), lambda i: (0, i, 0)),
            pl.BlockSpec((1, 1), lambda i: (0, 0)),
        ],
        out_specs=[
            pl.BlockSpec((rb, 128), lambda i: (i, 0)),
            pl.BlockSpec((rb, 128), lambda i: (i, 0)),
            pl.BlockSpec((rb, 128), lambda i: (i, 0)),
        ],
        out_shape=[vec, vec, vec],
    )(x3, w3, degp3, b2)


def _d2_body(accp_ref, dis_ref, z_ref, out_ref):
    acc = jnp.sum(accp_ref[...], axis=0)
    out_ref[...] = dis_ref[...] * acc + z_ref[...]


def _tc_combine(accp3, dis, z, npad):
    rows = npad // 128
    rb = 8
    grid = rows // rb
    return pl.pallas_call(
        _d2_body,
        grid=(grid,),
        in_specs=[
            pl.BlockSpec((NW, rb, 128), lambda i: (0, i, 0)),
            pl.BlockSpec((rb, 128), lambda i: (i, 0)),
            pl.BlockSpec((rb, 128), lambda i: (i, 0)),
        ],
        out_specs=pl.BlockSpec((rb, 128), lambda i: (i, 0)),
        out_shape=jax.ShapeDtypeStruct((rows, 128), jnp.float32),
    )(accp3, dis, z)


def kernel(x, edge_index, W, b):
    n, d = x.shape
    e = edge_index.shape[1]
    npad = ((n + 1023) // 1024) * 1024
    rows = npad // 128

    src = edge_index[0].astype(jnp.int32)
    dst = edge_index[1].astype(jnp.int32)

    degp = _sc_histogram(dst, npad)

    x_pad = jnp.pad(x, ((0, npad - n), (0, 0)))
    x3 = x_pad.reshape(rows, 128, d)
    w3 = W.reshape(1, 1, d)
    degp3 = degp.reshape(NW, rows, 128)
    b2 = b.reshape(1, 1)
    y2, dis2, z2 = _tc_dense(x3, w3, degp3, b2, npad)

    y_flat = y2.reshape(npad)
    accp = _sc_message(src, dst, y_flat, npad)

    accp3 = accp.reshape(NW, rows, 128)
    out2 = _tc_combine(accp3, dis2, z2, npad)

    return out2.reshape(npad, 1)[:n]

# --- scband reference (transcript-rebuilt; emitter-appended) ---
"""Pipeline reference for scband-attention-score-34256659153432 (READ-ONLY COPY).

The authoritative reference and input builder live on the scoring server;
editing this copy changes nothing except your own understanding.
"""

import jax, jax.numpy as jnp
import numpy as np

N = 10000
E = 320000
D = 128


def setup_inputs(seed: int = 0) -> dict:
    key = jax.random.key(seed)
    k1, k2, k3 = jax.random.split(key, 3)
    x = jax.random.normal(k1, (N, D), dtype=jnp.float32)
    edge_index = jax.random.randint(k2, (2, E), 0, N)
    # GCNConv learned params: weight [in_channels, 1] (glorot-ish), bias [1]
    W = jax.random.normal(k3, (D, 1), dtype=jnp.float32) * (1.0 / np.sqrt(D))
    b = jnp.zeros((1,), dtype=jnp.float32)
    return {"x": x, "edge_index": edge_index, "W": W, "b": b}


def reference(x, edge_index, W, b):
    # Faithful GCNConv (PyG defaults: add_self_loops=True, normalize=True, bias=True)
    n = x.shape[0]
    loop = jnp.arange(n, dtype=edge_index.dtype)
    src = jnp.concatenate([edge_index[0], loop])
    dst = jnp.concatenate([edge_index[1], loop])
    # symmetric normalization: deg computed over destination nodes (edge weight 1)
    deg = jnp.zeros((n,), dtype=x.dtype).at[dst].add(1.0)
    deg_inv_sqrt = jnp.where(deg > 0, deg ** -0.5, 0.0)
    norm = deg_inv_sqrt[src] * deg_inv_sqrt[dst]
    # linear transform to 1 channel, then message passing (scatter-add over dst)
    xw = x @ W  # [N, 1]
    msg = xw[src] * norm[:, None]  # gather + scale
    out = jnp.zeros((n, W.shape[1]), dtype=x.dtype).at[dst].add(msg)
    score = out + b
    return score

if __name__ == "__main__":
    import jax
    _d = setup_inputs()
    print(jax.jit(kernel)(*tuple(_d.values())))

</pallas_src>

<mosaic_0001>
#map = affine_map<(d0, d1) -> (0)>
#map1 = affine_map<(d0, d1) -> (0, 0)>
module attributes {stable_mosaic.version = 14 : i64} {
  func.func @_hist_body(%arg0: i32, %arg1: i32, %arg2: memref<320000xi32, #tpu.memory_space<hbm>>, %arg3: memref<32x10240xf32, #tpu.memory_space<hbm>>, %arg4: memref<10000xi32, #tpu.memory_space<vmem>>, %arg5: memref<10240xf32, #tpu.memory_space<vmem>>) attributes {dimension_semantics = [#tpu.dimension_semantics<core_parallel>, #tpu.dimension_semantics<subcore_parallel>], iteration_bounds = array<i64: 2, 16>, scalar_prefetch = 0 : i64, scratch_operands = 2 : i64, tpu.core_type = #tpu.core_type<sc_vector_subcore>, window_params = [{transform_indices = #map}, {transform_indices = #map1}]} {
    %mul3A = arith.constant 16 : i32
    %mul3A_0 = arith.muli %arg0, %mul3A : i32
    %add3A = arith.addi %mul3A_0, %arg1 : i32
    %broadcast_in_dim3A = arith.constant 0.000000e+00 : f32
    %broadcast_in_dim3A_1 = vector.broadcast %broadcast_in_dim3A : f32 to vector<16xf32>
    %parallel_loop3A = arith.constant 0 : i32
    %parallel_loop3A_2 = arith.constant 10240 : i32
    %parallel_loop3A_3 = arith.constant 16 : i32
    scf.for %parallel_loop3A_11 = %parallel_loop3A to %parallel_loop3A_2 step %parallel_loop3A_3  : i32 {
      %parallel_loop3A_12 = arith.index_cast %parallel_loop3A_11 : i32 to index
      %parallel_loop3A_13 = tpu.vector_load %arg5[%parallel_loop3A_12] {strides = array<i32>} : memref<10240xf32, #tpu.memory_space<vmem>>, vector<16xf32>,
      tpu.vector_store %arg5[%parallel_loop3A_12], %broadcast_in_dim3A_1 {strides = array<i32>} : memref<10240xf32, #tpu.memory_space<vmem>>, vector<16xf32>,
    } {sc.loop_unroll_factor = 8 : i64, sc.parallel_access}
    %mul3A_4 = arith.constant 10000 : i32
    %mul3A_5 = arith.muli %add3A, %mul3A_4 : i32
    "tpu.region"() ({
      %run_scoped3A = tpu.sem_alloc : memref<!tpu.dma_semaphore, #tpu.memory_space<semaphore_mem>>
      %dma_start3A = tpu.memref_slice %arg2[%mul3A_5] : memref<320000xi32, #tpu.memory_space<hbm>> -> memref<10000xi32, #tpu.memory_space<hbm>>
      %dma_start3A_11 = tpu.memref_slice %arg2[%mul3A_5] : memref<320000xi32, #tpu.memory_space<hbm>> -> memref<10000xi32, #tpu.memory_space<hbm>>
      tpu.enqueue_dma source(%dma_start3A_11 : memref<10000xi32, #tpu.memory_space<hbm>>) target(%arg4 : memref<10000xi32, #tpu.memory_space<vmem>>) target_semaphore(%run_scoped3A : memref<!tpu.dma_semaphore, #tpu.memory_space<semaphore_mem>>)
      %dma_wait3A = tpu.memref_slice %arg2[%mul3A_5] : memref<320000xi32, #tpu.memory_space<hbm>> -> memref<10000xi32, #tpu.memory_space<hbm>>
      %dma_wait3A_12 = tpu.memref_slice %arg2[%mul3A_5] : memref<320000xi32, #tpu.memory_space<hbm>> -> memref<10000xi32, #tpu.memory_space<hbm>>
      tpu.wait_dma2 semaphore(%run_scoped3A : memref<!tpu.dma_semaphore, #tpu.memory_space<semaphore_mem>>) src(%dma_wait3A_12 : memref<10000xi32, #tpu.memory_space<hbm>>) dst(%arg4 : memref<10000xi32, #tpu.memory_space<vmem>>)
      tpu.yield
    }) : () -> ()
    %broadcast_in_dim3A_6 = arith.constant 1.000000e+00 : f32
    %broadcast_in_dim3A_7 = vector.broadcast %broadcast_in_dim3A_6 : f32 to vector<16xf32>
    %parallel_loop3A_8 = arith.constant 0 : i32
    %parallel_loop3A_9 = arith.constant 10000 : i32
    %parallel_loop3A_10 = arith.constant 16 : i32
    scf.for %parallel_loop3A_11 = %parallel_loop3A_8 to %parallel_loop3A_9 step %parallel_loop3A_10  : i32 {
      %parallel_loop3A_12 = arith.index_cast %parallel_loop3A_11 : i32 to index
      %parallel_loop3A_13 = tpu.vector_load %arg4[%parallel_loop3A_12] {strides = array<i32>} : memref<10000xi32, #tpu.memory_space<vmem>>, vector<16xi32>,
      tpu.vector_store_idx %arg5[%parallel_loop3A_13], %broadcast_in_dim3A_7 {add = true} : memref<10240xf32, #tpu.memory_space<vmem>>[vector<16xi32>], vector<16xf32>,
    } {sc.loop_unroll_factor = 8 : i64, sc.parallel_access}
    "tpu.region"() ({
      %run_scoped3A = tpu.sem_alloc : memref<!tpu.dma_semaphore, #tpu.memory_space<semaphore_mem>>
      %dma_start3A = arith.constant 0 : i32
      %dma_start3A_11 = tpu.memref_slice %arg3[%add3A, %dma_start3A] : memref<32x10240xf32, #tpu.memory_space<hbm>> -> memref<1x10240xf32, #tpu.memory_space<hbm>>
      %dma_start3A_12 = tpu.memref_squeeze %dma_start3A_11 : memref<1x10240xf32, #tpu.memory_space<hbm>> -> memref<10240xf32, #tpu.memory_space<hbm>>
      %dma_start3A_13 = arith.constant 0 : i32
      %dma_start3A_14 = tpu.memref_slice %arg3[%add3A, %dma_start3A_13] : memref<32x10240xf32, #tpu.memory_space<hbm>> -> memref<1x10240xf32, #tpu.memory_space<hbm>>
      %dma_start3A_15 = tpu.memref_squeeze %dma_start3A_14 : memref<1x10240xf32, #tpu.memory_space<hbm>> -> memref<10240xf32, #tpu.memory_space<hbm>>
      tpu.enqueue_dma source(%arg5 : memref<10240xf32, #tpu.memory_space<vmem>>) target(%dma_start3A_15 : memref<10240xf32, #tpu.memory_space<hbm>>) target_semaphore(%run_scoped3A : memref<!tpu.dma_semaphore, #tpu.memory_space<semaphore_mem>>)
      %dma_wait3A = arith.constant 0 : i32
      %dma_wait3A_16 = tpu.memref_slice %arg3[%add3A, %dma_wait3A] : memref<32x10240xf32, #tpu.memory_space<hbm>> -> memref<1x10240xf32, #tpu.memory_space<hbm>>
      %dma_wait3A_17 = tpu.memref_squeeze %dma_wait3A_16 : memref<1x10240xf32, #tpu.memory_space<hbm>> -> memref<10240xf32, #tpu.memory_space<hbm>>
      %dma_wait3A_18 = arith.constant 0 : i32
      %dma_wait3A_19 = tpu.memref_slice %arg3[%add3A, %dma_wait3A_18] : memref<32x10240xf32, #tpu.memory_space<hbm>> -> memref<1x10240xf32, #tpu.memory_space<hbm>>
      %dma_wait3A_20 = tpu.memref_squeeze %dma_wait3A_19 : memref<1x10240xf32, #tpu.memory_space<hbm>> -> memref<10240xf32, #tpu.memory_space<hbm>>
      tpu.wait_dma2 semaphore(%run_scoped3A : memref<!tpu.dma_semaphore, #tpu.memory_space<semaphore_mem>>) src(%arg5 : memref<10240xf32, #tpu.memory_space<vmem>>) dst(%dma_wait3A_20 : memref<10240xf32, #tpu.memory_space<hbm>>)
      tpu.yield
    }) : () -> ()
    return
  }
}

#map = affine_map<(d0, d1) -> (0)>
#map1 = affine_map<(d0, d1) -> (0, 0)>
module attributes {stable_mosaic.version = 14 : i64} {
  func.func @_msg_body(%arg0: i32, %arg1: i32, %arg2: memref<320000xi32, #tpu.memory_space<hbm>>, %arg3: memref<320000xi32, #tpu.memory_space<hbm>>, %arg4: memref<10240xf32, #tpu.memory_space<hbm>>, %arg5: memref<32x10240xf32, #tpu.memory_space<hbm>>, %arg6: memref<10000xi32, #tpu.memory_space<vmem>>, %arg7: memref<10000xi32, #tpu.memory_space<vmem>>, %arg8: memref<10240xf32, #tpu.memory_space<vmem>>, %arg9: memref<10240xf32, #tpu.memory_space<vmem>>) attributes {dimension_semantics = [#tpu.dimension_semantics<core_parallel>, #tpu.dimension_semantics<subcore_parallel>], iteration_bounds = array<i64: 2, 16>, scalar_prefetch = 0 : i64, scratch_operands = 4 : i64, tpu.core_type = #tpu.core_type<sc_vector_subcore>, window_params = [{transform_indices = #map}, {transform_indices = #map}, {transform_indices = #map}, {transform_indices = #map1}]} {
    %mul3A = arith.constant 16 : i32
    %mul3A_0 = arith.muli %arg0, %mul3A : i32
    %add3A = arith.addi %mul3A_0, %arg1 : i32
    %broadcast_in_dim3A = arith.constant 0.000000e+00 : f32
    %broadcast_in_dim3A_1 = vector.broadcast %broadcast_in_dim3A : f32 to vector<16xf32>
    %parallel_loop3A = arith.constant 0 : i32
    %parallel_loop3A_2 = arith.constant 10240 : i32
    %parallel_loop3A_3 = arith.constant 16 : i32
    scf.for %parallel_loop3A_11 = %parallel_loop3A to %parallel_loop3A_2 step %parallel_loop3A_3  : i32 {
      %parallel_loop3A_12 = arith.index_cast %parallel_loop3A_11 : i32 to index
      %parallel_loop3A_13 = tpu.vector_load %arg9[%parallel_loop3A_12] {strides = array<i32>} : memref<10240xf32, #tpu.memory_space<vmem>>, vector<16xf32>,
      tpu.vector_store %arg9[%parallel_loop3A_12], %broadcast_in_dim3A_1 {strides = array<i32>} : memref<10240xf32, #tpu.memory_space<vmem>>, vector<16xf32>,
    } {sc.loop_unroll_factor = 8 : i64, sc.parallel_access}
    "tpu.region"() ({
      %run_scoped3A = tpu.sem_alloc : memref<!tpu.dma_semaphore, #tpu.memory_space<semaphore_mem>>
      tpu.enqueue_dma source(%arg4 : memref<10240xf32, #tpu.memory_space<hbm>>) target(%arg8 : memref<10240xf32, #tpu.memory_space<vmem>>) target_semaphore(%run_scoped3A : memref<!tpu.dma_semaphore, #tpu.memory_space<semaphore_mem>>)
      tpu.wait_dma2 semaphore(%run_scoped3A : memref<!tpu.dma_semaphore, #tpu.memory_space<semaphore_mem>>) src(%arg4 : memref<10240xf32, #tpu.memory_space<hbm>>) dst(%arg8 : memref<10240xf32, #tpu.memory_space<vmem>>)
      tpu.yield
    }) : () -> ()
    %mul3A_4 = arith.constant 10000 : i32
    %mul3A_5 = arith.muli %add3A, %mul3A_4 : i32
    "tpu.region"() ({
      %run_scoped3A = tpu.sem_alloc : memref<!tpu.dma_semaphore, #tpu.memory_space<semaphore_mem>>
      %dma_start3A = tpu.memref_slice %arg2[%mul3A_5] : memref<320000xi32, #tpu.memory_space<hbm>> -> memref<10000xi32, #tpu.memory_space<hbm>>
      %dma_start3A_11 = tpu.memref_slice %arg2[%mul3A_5] : memref<320000xi32, #tpu.memory_space<hbm>> -> memref<10000xi32, #tpu.memory_space<hbm>>
      tpu.enqueue_dma source(%dma_start3A_11 : memref<10000xi32, #tpu.memory_space<hbm>>) target(%arg6 : memref<10000xi32, #tpu.memory_space<vmem>>) target_semaphore(%run_scoped3A : memref<!tpu.dma_semaphore, #tpu.memory_space<semaphore_mem>>)
      %dma_wait3A = tpu.memref_slice %arg2[%mul3A_5] : memref<320000xi32, #tpu.memory_space<hbm>> -> memref<10000xi32, #tpu.memory_space<hbm>>
      %dma_wait3A_12 = tpu.memref_slice %arg2[%mul3A_5] : memref<320000xi32, #tpu.memory_space<hbm>> -> memref<10000xi32, #tpu.memory_space<hbm>>
      tpu.wait_dma2 semaphore(%run_scoped3A : memref<!tpu.dma_semaphore, #tpu.memory_space<semaphore_mem>>) src(%dma_wait3A_12 : memref<10000xi32, #tpu.memory_space<hbm>>) dst(%arg6 : memref<10000xi32, #tpu.memory_space<vmem>>)
      tpu.yield
    }) : () -> ()
    %mul3A_6 = arith.constant 10000 : i32
    %mul3A_7 = arith.muli %add3A, %mul3A_6 : i32
    "tpu.region"() ({
      %run_scoped3A = tpu.sem_alloc : memref<!tpu.dma_semaphore, #tpu.memory_space<semaphore_mem>>
      %dma_start3A = tpu.memref_slice %arg3[%mul3A_7] : memref<320000xi32, #tpu.memory_space<hbm>> -> memref<10000xi32, #tpu.memory_space<hbm>>
      %dma_start3A_11 = tpu.memref_slice %arg3[%mul3A_7] : memref<320000xi32, #tpu.memory_space<hbm>> -> memref<10000xi32, #tpu.memory_space<hbm>>
      tpu.enqueue_dma source(%dma_start3A_11 : memref<10000xi32, #tpu.memory_space<hbm>>) target(%arg7 : memref<10000xi32, #tpu.memory_space<vmem>>) target_semaphore(%run_scoped3A : memref<!tpu.dma_semaphore, #tpu.memory_space<semaphore_mem>>)
      %dma_wait3A = tpu.memref_slice %arg3[%mul3A_7] : memref<320000xi32, #tpu.memory_space<hbm>> -> memref<10000xi32, #tpu.memory_space<hbm>>
      %dma_wait3A_12 = tpu.memref_slice %arg3[%mul3A_7] : memref<320000xi32, #tpu.memory_space<hbm>> -> memref<10000xi32, #tpu.memory_space<hbm>>
      tpu.wait_dma2 semaphore(%run_scoped3A : memref<!tpu.dma_semaphore, #tpu.memory_space<semaphore_mem>>) src(%dma_wait3A_12 : memref<10000xi32, #tpu.memory_space<hbm>>) dst(%arg7 : memref<10000xi32, #tpu.memory_space<vmem>>)
      tpu.yield
    }) : () -> ()
    %parallel_loop3A_8 = arith.constant 0 : i32
    %parallel_loop3A_9 = arith.constant 10000 : i32
    %parallel_loop3A_10 = arith.constant 16 : i32
    scf.for %parallel_loop3A_11 = %parallel_loop3A_8 to %parallel_loop3A_9 step %parallel_loop3A_10  : i32 {
      %parallel_loop3A_12 = arith.index_cast %parallel_loop3A_11 : i32 to index
      %parallel_loop3A_13 = tpu.vector_load %arg6[%parallel_loop3A_12] {strides = array<i32>} : memref<10000xi32, #tpu.memory_space<vmem>>, vector<16xi32>,
      %parallel_loop3A_14 = arith.index_cast %parallel_loop3A_11 : i32 to index
      %parallel_loop3A_15 = tpu.vector_load %arg7[%parallel_loop3A_14] {strides = array<i32>} : memref<10000xi32, #tpu.memory_space<vmem>>, vector<16xi32>,
      %parallel_loop3A_16 = tpu.vector_load_idx %arg8[%parallel_loop3A_13] : memref<10240xf32, #tpu.memory_space<vmem>>[vector<16xi32>], vector<16xf32>,
      tpu.vector_store_idx %arg9[%parallel_loop3A_15], %parallel_loop3A_16 {add = true} : memref<10240xf32, #tpu.memory_space<vmem>>[vector<16xi32>], vector<16xf32>,
    } {sc.loop_unroll_factor = 8 : i64, sc.parallel_access}
    "tpu.region"() ({
      %run_scoped3A = tpu.sem_alloc : memref<!tpu.dma_semaphore, #tpu.memory_space<semaphore_mem>>
      %dma_start3A = arith.constant 0 : i32
      %dma_start3A_11 = tpu.memref_slice %arg5[%add3A, %dma_start3A] : memref<32x10240xf32, #tpu.memory_space<hbm>> -> memref<1x10240xf32, #tpu.memory_space<hbm>>
      %dma_start3A_12 = tpu.memref_squeeze %dma_start3A_11 : memref<1x10240xf32, #tpu.memory_space<hbm>> -> memref<10240xf32, #tpu.memory_space<hbm>>
      %dma_start3A_13 = arith.constant 0 : i32
      %dma_start3A_14 = tpu.memref_slice %arg5[%add3A, %dma_start3A_13] : memref<32x10240xf32, #tpu.memory_space<hbm>> -> memref<1x10240xf32, #tpu.memory_space<hbm>>
      %dma_start3A_15 = tpu.memref_squeeze %dma_start3A_14 : memref<1x10240xf32, #tpu.memory_space<hbm>> -> memref<10240xf32, #tpu.memory_space<hbm>>
      tpu.enqueue_dma source(%arg9 : memref<10240xf32, #tpu.memory_space<vmem>>) target(%dma_start3A_15 : memref<10240xf32, #tpu.memory_space<hbm>>) target_semaphore(%run_scoped3A : memref<!tpu.dma_semaphore, #tpu.memory_space<semaphore_mem>>)
      %dma_wait3A = arith.constant 0 : i32
      %dma_wait3A_16 = tpu.memref_slice %arg5[%add3A, %dma_wait3A] : memref<32x10240xf32, #tpu.memory_space<hbm>> -> memref<1x10240xf32, #tpu.memory_space<hbm>>
      %dma_wait3A_17 = tpu.memref_squeeze %dma_wait3A_16 : memref<1x10240xf32, #tpu.memory_space<hbm>> -> memref<10240xf32, #tpu.memory_space<hbm>>
      %dma_wait3A_18 = arith.constant 0 : i32
      %dma_wait3A_19 = tpu.memref_slice %arg5[%add3A, %dma_wait3A_18] : memref<32x10240xf32, #tpu.memory_space<hbm>> -> memref<1x10240xf32, #tpu.memory_space<hbm>>
      %dma_wait3A_20 = tpu.memref_squeeze %dma_wait3A_19 : memref<1x10240xf32, #tpu.memory_space<hbm>> -> memref<10240xf32, #tpu.memory_space<hbm>>
      tpu.wait_dma2 semaphore(%run_scoped3A : memref<!tpu.dma_semaphore, #tpu.memory_space<semaphore_mem>>) src(%arg9 : memref<10240xf32, #tpu.memory_space<vmem>>) dst(%dma_wait3A_20 : memref<10240xf32, #tpu.memory_space<hbm>>)
      tpu.yield
    }) : () -> ()
    return
  }
}

module attributes {stable_mosaic.version = 14 : i64} {
  func.func @_d1_body(%arg0: i32, %arg1: memref<8x128x128xf32, #tpu.memory_space<vmem>>, %arg2: memref<1x1x128xf32, #tpu.memory_space<vmem>>, %arg3: memref<32x8x128xf32, #tpu.memory_space<vmem>>, %arg4: memref<1x1xf32, #tpu.memory_space<vmem>>, %arg5: memref<8x128xf32, #tpu.memory_space<vmem>>, %arg6: memref<8x128xf32, #tpu.memory_space<vmem>>, %arg7: memref<8x128xf32, #tpu.memory_space<vmem>>) attributes {dimension_semantics = [#tpu.dimension_semantics<arbitrary>], iteration_bounds = array<i64: 10>, scalar_prefetch = 0 : i64, scratch_operands = 0 : i64, tpu.core_type = #tpu.core_type<tc>, window_params = [{transform_indices = @transform_0, window_bounds = array<i64: 8, 128, 128>}, {pipeline_mode = #tpu.pipeline_mode<synchronous>, transform_indices = @transform_1, window_bounds = array<i64: 1, 1, 128>}, {transform_indices = @transform_2, window_bounds = array<i64: 32, 8, 128>}, {pipeline_mode = #tpu.pipeline_mode<synchronous>, transform_indices = @transform_3, window_bounds = array<i64: 1, 1>}, {transform_indices = @transform_4, window_bounds = array<i64: 8, 128>}, {transform_indices = @transform_5, window_bounds = array<i64: 8, 128>}, {transform_indices = @transform_6, window_bounds = array<i64: 8, 128>}]} {
    %get3A = arith.constant 0 : index
    %get3A_0 = arith.constant 0 : index
    %get3A_1 = arith.constant 0 : index
    %get3A_2 = vector.load %arg1[%get3A, %get3A_0, %get3A_1] : memref<8x128x128xf32, #tpu.memory_space<vmem>>, vector<8x128x128xf32>
    %get3A_3 = arith.constant 0 : index
    %get3A_4 = arith.constant 0 : index
    %get3A_5 = arith.constant 0 : index
    %get3A_6 = vector.load %arg2[%get3A_3, %get3A_4, %get3A_5] : memref<1x1x128xf32, #tpu.memory_space<vmem>>, vector<1x1x128xf32>
    %mul3A = vector.broadcast %get3A_6 : vector<1x1x128xf32> to vector<8x128x128xf32>
    %mul3A_7 = arith.mulf %get3A_2, %mul3A : vector<8x128x128xf32>
    %reduce_sum3A = arith.constant dense<0.000000e+00> : vector<8x128xf32>
    %reduce_sum3A_8 = vector.multi_reduction <add>, %mul3A_7, %reduce_sum3A [2] : vector<8x128x128xf32> to vector<8x128xf32>
    %get3A_9 = arith.constant 0 : index
    %get3A_10 = arith.constant 0 : index
    %get3A_11 = arith.constant 0 : index
    %get3A_12 = vector.load %arg3[%get3A_9, %get3A_10, %get3A_11] : memref<32x8x128xf32, #tpu.memory_space<vmem>>, vector<32x8x128xf32>
    %reduce_sum3A_13 = arith.constant dense<0.000000e+00> : vector<8x128xf32>
    %reduce_sum3A_14 = vector.multi_reduction <add>, %get3A_12, %reduce_sum3A_13 [0] : vector<32x8x128xf32> to vector<8x128xf32>
    %add3A = arith.constant 1.000000e+00 : f32
    %add3A_15 = vector.broadcast %add3A : f32 to vector<8x128xf32>
    %add3A_16 = arith.addf %reduce_sum3A_14, %add3A_15 : vector<8x128xf32>
    %rsqrt3A = math.rsqrt %add3A_16 : vector<8x128xf32>
    %mul3A_17 = arith.mulf %reduce_sum3A_8, %rsqrt3A : vector<8x128xf32>
    %mul3A_18 = arith.mulf %rsqrt3A, %mul3A_17 : vector<8x128xf32>
    %get3A_19 = arith.constant 0 : index
    %get3A_20 = arith.constant 0 : index
    %get3A_21 = vector.load %arg4[%get3A_19, %get3A_20] : memref<1x1xf32, #tpu.memory_space<vmem>>, vector<1x1xf32>
    %get3A_22 = vector.extract %get3A_21[0, 0] : f32 from vector<1x1xf32>
    %add3A_23 = vector.broadcast %get3A_22 : f32 to vector<8x128xf32>
    %add3A_24 = arith.addf %mul3A_18, %add3A_23 : vector<8x128xf32>
    %swap3A = arith.constant 0 : index
    %swap3A_25 = arith.constant 0 : index
    %swap3A_26 = vector.load %arg5[%swap3A, %swap3A_25] : memref<8x128xf32, #tpu.memory_space<vmem>>, vector<8x128xf32>
    tpu.vector_store %arg5[%swap3A, %swap3A_25], %mul3A_17 {strides = array<i32>} : memref<8x128xf32, #tpu.memory_space<vmem>>, vector<8x128xf32>,
    %swap3A_27 = arith.constant 0 : index
    %swap3A_28 = arith.constant 0 : index
    %swap3A_29 = vector.load %arg6[%swap3A_27, %swap3A_28] : memref<8x128xf32, #tpu.memory_space<vmem>>, vector<8x128xf32>
    tpu.vector_store %arg6[%swap3A_27, %swap3A_28], %rsqrt3A {strides = array<i32>} : memref<8x128xf32, #tpu.memory_space<vmem>>, vector<8x128xf32>,
    %swap3A_30 = arith.constant 0 : index
    %swap3A_31 = arith.constant 0 : index
    %swap3A_32 = vector.load %arg7[%swap3A_30, %swap3A_31] : memref<8x128xf32, #tpu.memory_space<vmem>>, vector<8x128xf32>
    tpu.vector_store %arg7[%swap3A_30, %swap3A_31], %add3A_24 {strides = array<i32>} : memref<8x128xf32, #tpu.memory_space<vmem>>, vector<8x128xf32>,
    return
  }
  func.func @transform_0(%arg0: i32) -> (i32, i32, i32) {
    %c0_i32 = arith.constant 0 : i32
    %c0_i32_0 = arith.constant 0 : i32
    %c0_i32_1 = arith.constant 0 : i32
    return %arg0, %c0_i32, %c0_i32_0 : i32, i32, i32
  }
  func.func @transform_1(%arg0: i32) -> (i32, i32, i32) {
    %c0_i32 = arith.constant 0 : i32
    %c0_i32_0 = arith.constant 0 : i32
    %c0_i32_1 = arith.constant 0 : i32
    %c0_i32_2 = arith.constant 0 : i32
    return %c0_i32, %c0_i32_0, %c0_i32_1 : i32, i32, i32
  }
  func.func @transform_2(%arg0: i32) -> (i32, i32, i32) {
    %c0_i32 = arith.constant 0 : i32
    %c0_i32_0 = arith.constant 0 : i32
    %c0_i32_1 = arith.constant 0 : i32
    return %c0_i32, %arg0, %c0_i32_0 : i32, i32, i32
  }
  func.func @transform_3(%arg0: i32) -> (i32, i32) {
    %c0_i32 = arith.constant 0 : i32
    %c0_i32_0 = arith.constant 0 : i32
    %c0_i32_1 = arith.constant 0 : i32
    return %c0_i32, %c0_i32_0 : i32, i32
  }
  func.func @transform_4(%arg0: i32) -> (i32, i32) {
    %c0_i32 = arith.constant 0 : i32
    %c0_i32_0 = arith.constant 0 : i32
    return %arg0, %c0_i32 : i32, i32
  }
  func.func @transform_5(%arg0: i32) -> (i32, i32) {
    %c0_i32 = arith.constant 0 : i32
    %c0_i32_0 = arith.constant 0 : i32
    return %arg0, %c0_i32 : i32, i32
  }
  func.func @transform_6(%arg0: i32) -> (i32, i32) {
    %c0_i32 = arith.constant 0 : i32
    %c0_i32_0 = arith.constant 0 : i32
    return %arg0, %c0_i32 : i32, i32
  }
}

module attributes {stable_mosaic.version = 14 : i64} {
  func.func @_d2_body(%arg0: i32, %arg1: memref<32x8x128xf32, #tpu.memory_space<vmem>>, %arg2: memref<8x128xf32, #tpu.memory_space<vmem>>, %arg3: memref<8x128xf32, #tpu.memory_space<vmem>>, %arg4: memref<8x128xf32, #tpu.memory_space<vmem>>) attributes {dimension_semantics = [#tpu.dimension_semantics<arbitrary>], iteration_bounds = array<i64: 10>, scalar_prefetch = 0 : i64, scratch_operands = 0 : i64, tpu.core_type = #tpu.core_type<tc>, window_params = [{transform_indices = @transform_0, window_bounds = array<i64: 32, 8, 128>}, {transform_indices = @transform_1, window_bounds = array<i64: 8, 128>}, {transform_indices = @transform_2, window_bounds = array<i64: 8, 128>}, {transform_indices = @transform_3, window_bounds = array<i64: 8, 128>}]} {
    %get3A = arith.constant 0 : index
    %get3A_0 = arith.constant 0 : index
    %get3A_1 = arith.constant 0 : index
    %get3A_2 = vector.load %arg1[%get3A, %get3A_0, %get3A_1] : memref<32x8x128xf32, #tpu.memory_space<vmem>>, vector<32x8x128xf32>
    %reduce_sum3A = arith.constant dense<0.000000e+00> : vector<8x128xf32>
    %reduce_sum3A_3 = vector.multi_reduction <add>, %get3A_2, %reduce_sum3A [0] : vector<32x8x128xf32> to vector<8x128xf32>
    %get3A_4 = arith.constant 0 : index
    %get3A_5 = arith.constant 0 : index
    %get3A_6 = vector.load %arg2[%get3A_4, %get3A_5] : memref<8x128xf32, #tpu.memory_space<vmem>>, vector<8x128xf32>
    %mul3A = arith.mulf %get3A_6, %reduce_sum3A_3 : vector<8x128xf32>
    %get3A_7 = arith.constant 0 : index
    %get3A_8 = arith.constant 0 : index
    %get3A_9 = vector.load %arg3[%get3A_7, %get3A_8] : memref<8x128xf32, #tpu.memory_space<vmem>>, vector<8x128xf32>
    %add3A = arith.addf %mul3A, %get3A_9 : vector<8x128xf32>
    %swap3A = arith.constant 0 : index
    %swap3A_10 = arith.constant 0 : index
    %swap3A_11 = vector.load %arg4[%swap3A, %swap3A_10] : memref<8x128xf32, #tpu.memory_space<vmem>>, vector<8x128xf32>
    tpu.vector_store %arg4[%swap3A, %swap3A_10], %add3A {strides = array<i32>} : memref<8x128xf32, #tpu.memory_space<vmem>>, vector<8x128xf32>,
    return
  }
  func.func @transform_0(%arg0: i32) -> (i32, i32, i32) {
    %c0_i32 = arith.constant 0 : i32
    %c0_i32_0 = arith.constant 0 : i32
    %c0_i32_1 = arith.constant 0 : i32
    return %c0_i32, %arg0, %c0_i32_0 : i32, i32, i32
  }
  func.func @transform_1(%arg0: i32) -> (i32, i32) {
    %c0_i32 = arith.constant 0 : i32
    %c0_i32_0 = arith.constant 0 : i32
    return %arg0, %c0_i32 : i32, i32
  }
  func.func @transform_2(%arg0: i32) -> (i32, i32) {
    %c0_i32 = arith.constant 0 : i32
    %c0_i32_0 = arith.constant 0 : i32
    return %arg0, %c0_i32 : i32, i32
  }
  func.func @transform_3(%arg0: i32) -> (i32, i32) {
    %c0_i32 = arith.constant 0 : i32
    %c0_i32_0 = arith.constant 0 : i32
    return %arg0, %c0_i32 : i32, i32
  }
}

</mosaic_0001>

<sc_bundles>
// kernel: kernel.6.cloned.1.call-start
scs
__scs_entry_jumppad:
0x0: {  	(pc) =	sbr.rel $0x88, $3  }
0x1: {  	(tag) =	ssettag $0x0;
	lr =	simm.s32 $0x1  }
0x2: {  	[smem:$0x3F9D] =	sst lr;
	_ =	strace $0xD0000000  }
0x3: {  	_ = 	snop  }
0x4: {  	_ = 	snop  }
0x5: {  	_ = 	snop  }
0x6: {  	_ = 	snop  }
0x7: {  	_ = 	snop  }
__scs_overlays_trampoline_lowered:
0x8: {  	[smem:$0x3FAC] =	sst s0  }
0x9: {  	[smem:$0x3FAD] =	sst s1  }
0xa: {  	[smem:$0x3FAE] =	sst s2  }
0xb: {  	[smem:$0x3FAF] =	sst s3  }
0xc: {  	[smem:$0x3FB0] =	sst s4  }
0xd: {  	[smem:$0x3FB1] =	sst s5  }
0xe: {  	[smem:$0x3FB2] =	sst s6  }
0xf: {  	[smem:$0x3FB3] =	sst s7  }
0x10: {  	[smem:$0x3FB4] =	sst s8  }
0x11: {  	[smem:$0x3FB5] =	sst s9;
	s0 =	simm.s32 @!p0 $0x0  }
0x12: {  	s1 =	sld [smem:$0x3F9B];
	s0 =	simm.s32 @p0 $0x1  }
0x13: {  	[smem:$0x3FB6] =	sst s0;
	s0 =	simm.s32 @!p1 $0x0  }
0x14: {  	s2 =	sld [smem:$0x3F9A];
	s0 =	simm.s32 @p1 $0x1  }
0x15: {  	[smem:$0x3FB7] =	sst s0;
	s0 =	simm.s32 @!p2 $0x0  }
0x16: {  	s3 =	sld [smem:$0x3FDB];
	s0 =	simm.s32 @p2 $0x1  }
0x17: {  	s4 =	simm.s32 $0x1BF5;
	[smem:$0x3FB9] =	sst s0  }
0x18: {  	s0 =	sld [smem:$0x3F9C];
	_ =	swait.ge [sflag:s4], $0x0  }
0x19: {  	s7 =	sld [smem:$0x3F9D]  }
0x1a: {  	s8 =	sadd.s32 $0xFFFFE003, lr  }
0x1b: {  	s9 =	sadd.s32 $0xFFFFFEF7, lr;
	s5 =	simm.s32 $0xFFFFFFFF;
	p2 =	slt.u32 s8, $0xFFFFF086  }
0x1c: {  	p1 =	slt.u32 s9, $0xF7A;
	s5 =	simm.s32 @!p2 $0x0  }
0x1d: {  	s5 =	simm.s32 @p1 $0x1;
	p0 =	seq.s32 s7, s2  }
0x1e: {  	s7 =	smul.u32 @!p0 $0xF7A, s2;
	p2 =	seq.s32 @!p0 s5, $0x0  }
0x1f: {  	s9 =	smul.u32 $0xF7A, s1;
	s8 =	simm.s32 @!p0 $0x1BF5;
	p2 =	por !p2, p0  }
0x20: {  	[sflag:s8] =	ssyncset.s32 @!p0 $0xFFFFF086;
	s6 =	sadd.s32 @!p0 s3, s7;
	s7 =	simm.s32 @!p0 $0x108  }
0x21: {  	s3 =	sadd.s32 s3, s9;
	s6 =	sadd.s32 @!p0 $0x88, s6;
	s7 =	simm.s32 @p2 $0x1082  }
0x22: {  	[simem:s7], [sflag:s8] =	dma.local @!p0 [hbm:s6], $0xF7A  }
0x23: {  	s9 =	sor.u32 $0xD0000000, s2;
	s6 =	simm.s32 $0x108;
	_ =	swait.ge @!p0 [sflag:s8], $0x0  }
0x24: {  	s3 =	sadd.s32 $0x88, s3;
	s6 =	simm.s32 @!p1 $0x1082;
	[sflag:s4] =	ssyncset.s32 $0xFFFFF086  }
0x25: {  	[simem:s6], [sflag:s4] =	dma.local [hbm:s3], $0xF7A  }
0x26: {  	[smem:$0x3F9D] =	sst s1;
	(tag) =	ssettag s2;
	_ =	strace s9  }
0x27: {  	s1 =	sld [smem:$0x3FAD]  }
0x28: {  	s2 =	sld [smem:$0x3FAE]  }
0x29: {  	s4 =	sld [smem:$0x3FB0]  }
0x2a: {  	p0 =	seq.s32 s5, $0x0;
	s5 =	sld [smem:$0x3FB1]  }
0x2b: {  	s6 =	sld [smem:$0x3FB2]  }
0x2c: {  	s7 =	sld [smem:$0x3FB3]  }
0x2d: {  	s3 =	simm.s32 $0x108;
	s8 =	sld [smem:$0x3FB4]  }
0x2e: {  	s3 =	simm.s32 @!p0 $0x1082;
	s9 =	sld [smem:$0x3FB5]  }
0x2f: {  	lr =	sadd.s32 s0, s3;
	s0 =	sld [smem:$0x3FAC]  }
0x30: {  	s3 =	sld [smem:$0x3FAF]  }
0x31: {  	[smem:$0x3FB8] =	sst s10  }
0x32: {  	s10 =	sld [smem:$0x3FB6];
	_ =	sdelay $0x3  }
0x33: {  	p0 =	seq.s32 s10, $0x1;
	s10 =	sld [smem:$0x3FB8];
	_ =	sdelay $0x3  }
0x34: {  	[smem:$0x3FB8] =	sst s10  }
0x35: {  	s10 =	sld [smem:$0x3FB7];
	_ =	sdelay $0x3  }
0x36: {  	p1 =	seq.s32 s10, $0x1;
	s10 =	sld [smem:$0x3FB8];
	_ =	sdelay $0x3  }
0x37: {  	[smem:$0x3FB8] =	sst s10  }
0x38: {  	s10 =	sld [smem:$0x3FB9]  }
0x39: {  	_ = 	snop;
	(pc) =	sbr.ind lr, $3  }
0x3a: {  	_ = 	snop  }
0x3b: {  	_ = 	snop  }
0x3c: {  	p2 =	seq.s32 s10, $0x1;
	s10 =	sld [smem:$0x3FB8]  }
0x3d: {  	_ =	shalt  }
0x3e: {  	_ =	shalt  }
0x3f: {  	_ =	shalt  }
0x40: {  	_ =	shalt  }
0x41: {  	_ =	shalt  }
0x42: {  	_ =	shalt  }
0x43: {  	_ =	shalt  }
0x44: {  	_ =	shalt  }
0x45: {  	_ =	shalt  }
0x46: {  	_ =	shalt  }
0x47: {  	_ =	shalt  }
0x48: {  	_ =	shalt  }
0x49: {  	_ =	shalt  }
0x4a: {  	_ =	shalt  }
0x4b: {  	_ =	shalt  }
0x4c: {  	_ =	shalt  }
0x4d: {  	_ =	shalt  }
0x4e: {  	_ =	shalt  }
0x4f: {  	_ =	shalt  }
0x50: {  	_ =	shalt  }
0x51: {  	_ =	shalt  }
0x52: {  	_ =	shalt  }
0x53: {  	_ =	shalt  }
0x54: {  	_ =	shalt  }
0x55: {  	_ =	shalt  }
0x56: {  	_ =	shalt  }
0x57: {  	_ =	shalt  }
0x58: {  	_ =	shalt  }
0x59: {  	_ =	shalt  }
0x5a: {  	_ =	shalt  }
0x5b: {  	_ =	shalt  }
0x5c: {  	_ =	shalt  }
0x5d: {  	_ =	shalt  }
0x5e: {  	_ =	shalt  }
0x5f: {  	_ =	shalt  }
0x60: {  	_ =	shalt  }
0x61: {  	_ =	shalt  }
0x62: {  	_ =	shalt  }
0x63: {  	_ =	shalt  }
0x64: {  	_ =	shalt  }
0x65: {  	_ =	shalt  }
0x66: {  	_ =	shalt  }
0x67: {  	_ =	shalt  }
0x68: {  	_ =	shalt  }
0x69: {  	_ =	shalt  }
0x6a: {  	_ =	shalt  }
0x6b: {  	_ =	shalt  }
0x6c: {  	_ =	shalt  }
0x6d: {  	_ =	shalt  }
0x6e: {  	_ =	shalt  }
0x6f: {  	_ =	shalt  }
0x70: {  	_ =	shalt  }
0x71: {  	_ =	shalt  }
0x72: {  	_ =	shalt  }
0x73: {  	_ =	shalt  }
0x74: {  	_ =	shalt  }
0x75: {  	_ =	shalt  }
0x76: {  	_ =	shalt  }
0x77: {  	_ =	shalt  }
0x78: {  	_ =	shalt  }
0x79: {  	_ =	shalt  }
0x7a: {  	_ =	shalt  }
0x7b: {  	_ =	shalt  }
0x7c: {  	_ =	shalt  }
0x7d: {  	_ =	shalt  }
0x7e: {  	_ =	shalt  }
0x7f: {  	_ =	shalt  }
0x80: {  	_ =	shalt  }
0x81: {  	_ =	shalt  }
0x82: {  	_ =	shalt  }
0x83: {  	_ =	shalt  }
0x84: {  	_ =	shalt  }
0x85: {  	_ =	shalt  }
0x86: {  	_ =	shalt  }
0x87: {  	_ =	shalt  }
.Lfunc_end0:
.L_simem_size_0:
called_computation_lowered:
.L_overlay_start_0:
0x88: {  	s2 =	sld [smem:$0x3FD9]  }
0x89: {  	s3 =	sld [smem:$0x3FFE];
	_ =	sdelay $0x1  }
0x8a: {  	s1 =	srdreg.scid  }
0x8b: {  	s0 =	sand.u32 $0x1, s1  }
0x8c: {  	s16 =	sshll.u32 s0, $0xA;
	s2 =	sadd.s32 s3, s2  }
0x8d: {  	s2 =	sadd.s32 s2, s16  }
0x8e: {  	[smem:$0x3FC4] =	sst s2  }
0x8f: {  	_ = 	snop  }
0x90: {  	(tm) =	ssettm $0x1  }
0x91: {  	s17 =	sld [smem:$0x3FFB];
	_ =	sdelay $0x3  }
0x92: {  	_ =	strace s17  }
0x93: {  	s2 =	sld [smem:$0x3FFC];
	_ =	sdelay $0x3  }
0x94: {  	_ =	strace s2  }
0x95: {  	s2 =	sld [smem:$0x3FFD];
	_ =	sdelay $0x3  }
0x96: {  	_ =	strace s2  }
0x97: {  	_ =	strace $0x8FFFFFFF  }
0x98: {  	s18 =	sld [smem:$0x3FDB];
	_ =	sdelay $0x1  }
0x99: {  	s19 =	simm.s32 $_scs_section_size  }
0x9a: {  	s4 =	simm.s32 $_size__tile_overlayer_lowered;
	s5 =	simm.s32 $_tile_overlayer_lowered  }
0x9b: {  	s22 =	simm.s32 $0x1BFF;
	s21 =	sshll.u32 s5, $0x1;
	s2 =	sadd.s32 s19, s18  }
0x9c: {  	s6 =	simm.s32 $0x0;
	s20 =	sshll.u32 s4, $0x1;
	s4 =	sadd.s32 s21, s2  }
0x9d: {  	[timem:s6], [sflag:s22] =	dma.local [hbm:s4], s20  }
0x9e: {  	_ =	swait.ge [sflag:s22], s20  }
0x9f: {  	s3 =	ssub.s32 $0x0, s20;
	[sflag:s22] =	ssyncset.done $0x0  }
0xa0: {  	[sflag:s22] =	ssyncadd.s32 s3;
	_ =	sdelay $0x1  }
0xa1: {  	s23 =	simm.s32 $0x1B8B  }
0xa2: {  	_ =	swait.ge [sflag:s23], $0x1  }
0xa3: {  	[sflag:s23] =	ssyncset.done $0x0  }
0xa4: {  	s25 =	simm.s32 $0x1B8E;
	s24 =	sld [smem:$0x3FFE];
	[sflag:s23] =	ssyncadd.s32 $0xFFFFFFFF  }
0xa5: {  	s26 =	simm.s32 $execute0_lowered;
	[smem:$0x3FD2] =	sst s25  }
0xa6: {  	s4 =	sshll.u32 s26, $0x1;
	_ =	strace $0x80000046;
	[dreg:$0x1] =	wrdreg $0xFFFFFFFF  }
0xa7: {  	s28 =	simm.s32 $_size_execute0_lowered;
	s2 =	sadd.s32 s2, s4;
	[dreg:$0x0] =	wrdreg $0x0  }
0xa8: {  	s4 =	sshll.u32 s28, $0x1;
	[dreg:$0x2] =	wrdreg s2  }
0xa9: {  	[dreg:$0x3] =	wrdreg s4  }
0xaa: {  	[dreg:$0x4] =	wrdreg $0xC0  }
0xab: {  	_ =	task [dreg:s6], $0x5FFFF  }
0xac: {  	[dreg:$0x1] =	wrdreg $0xFFFFFFFF  }
0xad: {  	[dreg:$0x0] =	wrdreg $0x60  }
0xae: {  	[dreg:$0x2] =	wrdreg s24  }
0xaf: {  	[dreg:$0x3] =	wrdreg $0x9  }
0xb0: {  	_ =	task.clear_ibuf [dreg:s6], $0x4FFFF;
	_ =	strace $0x90000046  }
0xb1: {  	s29 =	simm.s32 $0x9;
	_ =	strace $0x80000048  }
0xb2: {  	_ =	swait.ge [sflag:s29], $0x1  }
0xb3: {  	[sflag:s29] =	ssyncadd.s32 $0xFFFFFFFF  }
0xb4: {  	_ =	strace $0x90000048  }
0xb5: {  	_ =	sfence  }
0xb6: {  	s30 =	sld [smem:$0x0];
	_ =	sdelay $0x2  }
0xb7: {  	s31 =	sshll.u32 s1, $0xD;
	s1 =	sshrl.u32 s1, $0x2  }
0xb8: {  	s3 =	sand.u32 $0x4000, s31;
	s1 =	sadd.s32 s1, s30  }
0xb9: {  	s0 =	sor.u32 s3, s0;
	s1 =	sshll.u32 s1, $0x11  }
0xba: {  	s0 =	sor.u32 s1, s0  }
0xbb: {  	s0 =	sadd.s32 $0x8F2B, s0  }
0xbc: {  	[sflag:s0] =	ssyncadd.remote.s32 $0x1  }
0xbd: {  	_ =	sfence.sel $0xFFFF  }
0xbe: {  	[dreg:$0x0] =	wrdreg $0xFFFFFFFF;
	(pc) =	sbr.abs _section_cstart, $3  }
0xbf: {  	[dreg:$0x1] =	wrdreg $0xFFFFFFFF  }
0xc0: {  	_ =	task.clear_ibuf [dreg:s6], $0x2FFFF;
	_ =	strace $0x9FFFFFFF  }
0xc1: {  	(tm) =	ssettm $0x7FFFFFFF  }
tec
execute0_lowered:
.L_overlay_start_1:
0x0: {  	(tag) =	ssettag $0x1  }
0x1: {  	s0 =	srdreg.scid  }
0x2: {  	s5 =	rddreg [dreg:$0x0];
	s3 =	sand.u32 $0x1, s0  }
0x3: {  	s2 =	simm.s32 $0x0;
	s0 =	stileid.u32;
	s1 =	sshll.u32 s3, $0x4  }
0x4: {  	s8 =	simm.s32 $0x80;
	s9 =	simm.s32 $0x400;
	s4 =	sor.u32 s0, s1  }
0x5: {  	s10 =	simm.s32 $0x0;
	[smem:$0x7FF] =	sst s2;
	s1 =	sshrl.u32 s4, $0x3  }
0x6: {  	s7 =	sshll.u32 s0, $0x7;
	s3 =	ssub.s32 $0x2, s3;
	s6 =	smul.u32 $0x14000, s1  }
0x7: {  	s7 =	sand.u32 $0x380, s7;
	s31 =	sshrl.u32 s3, $0x1;
	s4 =	smul.u32 $0x4E2, s4  }
0x8: {  	s1 =	rddreg [dreg:$0x1];
	_ =	strace $0x80000047;
	s6 =	sor.u32 s7, s6  }
0x9: {  	s4 =	sadd.s32 s4, s5;
	s7 =	simm.s32 $0x2780;
	s6 =	sshrl.u32 s6, $0x3  }
0xa: {  	s5 =	sadd.s32 s6, s5;
	s6 =	ssub.s32 s3, s31;
	s3 =	sadd.s32 $0xE00, s4  }
0xb: {  	v0 =	vimm.f32 $0.0e+00;
	v1 =	vimm.f32 $1.000000000e+00;
	s4 =	sadd.s32 $0x14A00, s5;
	s5 =	smax.u32 s6, $0x1;
	s6 =	simm.s32 $0x1  }
.LBB2_1:
0xc: {  	s11 =	simm.s32 $0x27C0  }
0xd: {  	[tilespmem:s11+$0xFFFFFFC0] =	vst v0  }
0xe: {  	[tilespmem:s11+$0x30] =	vst v0  }
0xf: {  	[tilespmem:s11+$0x20] =	vst v0  }
0x10: {  	[tilespmem:s11+$0x10] =	vst v0  }
0x11: {  	[tilespmem:s11+$0x0] =	vst v0  }
0x12: {  	[tilespmem:s11+$0xFFFFFFF0] =	vst v0  }
0x13: {  	s12 =	simm.s32 $0x0;
	[tilespmem:s11+$0xFFFFFFE0] =	vst v0  }
.LBB2_2:
0x14: {  	s12 =	sadd.s32 $0x80, s12;
	[tilespmem:s11+$0xFFFFFFD0] =	vst v0;
	s11 =	sadd.s32 $0x80, s11  }
0x15: {  	[tilespmem:s11+$0xFFFFFFC0] =	vst v0;
	p0 =	slt.u32 s12, $0x2780  }
0x16: {  	[tilespmem:s11+$0x30] =	vst v0  }
.Ltmp0:
0x17: {  	[tilespmem:s11+$0x20] =	vst v0;
	(pc) =	sbr.rel @p0 .LBB2_2-.Ltmp0, $4  }
0x18: {  	[tilespmem:s11+$0x10] =	vst v0  }
0x19: {  	[tilespmem:s11+$0x0] =	vst v0  }
0x1a: {  	[tilespmem:s11+$0xFFFFFFF0] =	vst v0  }
0x1b: {  	[tilespmem:s11+$0xFFFFFFE0] =	vst v0  }
0x1c: {  	[tilespmem:s11+$0xFFFFFFD0] =	vst v0  }
0x1d: {  	[tilespmem:s2], [sflag:$0x1] =	stream.linear.gather [hbm4b:s3+s2], $0x2710, $0x38;
	[tilespmem:$0x4F80] =	vst v63  }
0x1e: {  	_ =	swait.ge [sflag:s6], $0x2710  }
0x1f: {  	[sflag:s6] =	ssyncset.done $0x0  }
0x20: {  	s11 =	simm.s32 $0x40;
	[sflag:s6] =	ssyncadd.s32 $0xFFFFD8F0  }
0x21: {  	v3 =	vld [tilespmem:s11+$0xFFFFFFC0]  }
0x22: {  	v4 =	vld [tilespmem:s11+$0x30]  }
0x23: {  	v5 =	vld [tilespmem:s11+$0x20]  }
0x24: {  	v6 =	vld [tilespmem:s11+$0x10]  }
0x25: {  	v7 =	vld [tilespmem:s11+$0x0]  }
0x26: {  	v8 =	vld [tilespmem:s11+$0xFFFFFFF0]  }
0x27: {  	v9 =	vld [tilespmem:s11+$0xFFFFFFE0]  }
0x28: {  	v2 =	vld [tilespmem:s11+$0xFFFFFFD0]  }
0x29: {  	[tilespmem:v3+s7+$0x0] =	vst.idx.add.f32.msk $0xffff, v1  }
0x2a: {  	[tilespmem:v4+s7+$0x0] =	vst.idx.add.f32.msk $0xffff, v1  }
0x2b: {  	[tilespmem:v5+s7+$0x0] =	vst.idx.add.f32.msk $0xffff, v1  }
0x2c: {  	[tilespmem:v6+s7+$0x0] =	vst.idx.add.f32.msk $0xffff, v1  }
0x2d: {  	[tilespmem:v7+s7+$0x0] =	vst.idx.add.f32.msk $0xffff, v1  }
0x2e: {  	[tilespmem:v8+s7+$0x0] =	vst.idx.add.f32.msk $0xffff, v1  }
0x2f: {  	s12 =	simm.s32 $0x0;
	[tilespmem:v9+s7+$0x0] =	vst.idx.add.f32.msk $0xffff, v1  }
.LBB2_4:
0x30: {  	s12 =	sadd.s32 $0x80, s12;
	[tilespmem:v2+s7+$0x0] =	vst.idx.add.f32.msk $0xffff, v1;
	s11 =	sadd.s32 $0x80, s11  }
0x31: {  	v3 =	vld [tilespmem:s11+$0xFFFFFFC0];
	p0 =	slt.u32 s12, $0x2680  }
0x32: {  	v4 =	vld [tilespmem:s11+$0x30]  }
0x33: {  	v5 =	vld [tilespmem:s11+$0x20]  }
0x34: {  	v6 =	vld [tilespmem:s11+$0x10]  }
0x35: {  	v7 =	vld [tilespmem:s11+$0x0]  }
0x36: {  	v8 =	vld [tilespmem:s11+$0xFFFFFFF0]  }
0x37: {  	v9 =	vld [tilespmem:s11+$0xFFFFFFE0]  }
0x38: {  	v2 =	vld [tilespmem:s11+$0xFFFFFFD0]  }
0x39: {  	[tilespmem:v3+s7+$0x0] =	vst.idx.add.f32.msk $0xffff, v1  }
0x3a: {  	[tilespmem:v4+s7+$0x0] =	vst.idx.add.f32.msk $0xffff, v1  }
.Ltmp1:
0x3b: {  	[tilespmem:v5+s7+$0x0] =	vst.idx.add.f32.msk $0xffff, v1;
	(pc) =	sbr.rel @p0 .LBB2_4-.Ltmp1, $4  }
0x3c: {  	[tilespmem:v6+s7+$0x0] =	vst.idx.add.f32.msk $0xffff, v1  }
0x3d: {  	[tilespmem:v7+s7+$0x0] =	vst.idx.add.f32.msk $0xffff, v1  }
0x3e: {  	[tilespmem:v8+s7+$0x0] =	vst.idx.add.f32.msk $0xffff, v1  }
0x3f: {  	[tilespmem:v9+s7+$0x0] =	vst.idx.add.f32.msk $0xffff, v1  }
0x40: {  	_ =	sdelay $0x3  }
0x41: {  	[tilespmem:v2+s7+$0x0] =	vst.idx.add.f32.msk $0xffff, v1  }
0x42: {  	v2 =	vld [tilespmem:$0x2700];
	_ =	sdelay $0x5  }
0x43: {  	s10 =	sadd.s32 $0x1, s10  }
0x44: {  	p0 =	sne.s32 s10, s5  }
.Ltmp2:
0x45: {  	[tilespmem:v2+s7+$0x0] =	vst.idx.add.f32.msk $0xffff, v1;
	(pc) =	sbr.rel @p0 .LBB2_1-.Ltmp2, $4  }
0x46: {  	[hbm4b:s4+s8] =	stream.strided.scatter [tilespmem:s7], [sflag:$0x1], $0x2800, s9, s8, $0x38;
	[tilespmem:$0x4F80] =	vst v63  }
0x47: {  	_ =	swait.ge [sflag:s6], $0x2800  }
0x48: {  	[sflag:s6] =	ssyncset.done $0x0  }
0x49: {  	[sflag:s6] =	ssyncadd.s32 $0xFFFFD800  }
0x4a: {  	_ =	sfence.sel $0x180000  }
0x4b: {  	[bflag:$0x0] =	sbarrier.arrive $0xFFFF  }
0x4c: {  	p0 =	sne.s32 s0, $0x0;
	_ =	strace $0x90000047  }
0x4d: {  	s0 =	sadd.s32 @!p0 $0x100000, s1;
	[bflag:$0x2] =	sbarrier.arrive $0xFFFF  }
0x4e: {  	[sflag:s0] =	ssyncadd.tile.s32 @!p0 $0x1;
	_ =	shalt  }
.Lfunc_end2:
_tile_overlayer_lowered:
.L_overlay_start_2:
0x4f: {  	(tag) =	ssettag $0x2  }
0x50: {  	s0 =	rddreg [dreg:$0x0];
	s2 =	stileid.u32  }
0x51: {  	s1 =	rddreg [dreg:$0x1];
	p0 =	sne.s32 s2, $0x0  }
0x52: {  	s3 =	rddreg [dreg:$0x2];
	[bflag:$0x3] =	sbarrier.arrive $0xFFFF;
	s2 =	simm.s32 @!p0 $0x1C01  }
0x53: {  	[timem:s3], [sflag:s2] =	dma.local @!p0 [hbm:s0], s1  }
0x54: {  	s0 =	simm.s32 @!p0 $0x1  }
0x55: {  	_ =	swait.ge @!p0 [sflag:s0], s1  }
0x56: {  	s1 =	ssub.s32 @!p0 $0x0, s1;
	[sflag:s0] =	ssyncset.done @!p0 $0x0  }
0x57: {  	[sflag:s0] =	ssyncadd.s32 @!p0 s1  }
0x58: {  	[bflag:$0x3] =	sbarrier.arrive $0xFFFF  }
0x59: {  	_ =	shalt  }

// kernel: kernel.9.cloned.1.call-start
scs
__scs_entry_jumppad:
0x0: {  	(pc) =	sbr.rel $0x88, $3  }
0x1: {  	(tag) =	ssettag $0x0;
	lr =	simm.s32 $0x1  }
0x2: {  	[smem:$0x3F9D] =	sst lr;
	_ =	strace $0xD0000000  }
0x3: {  	_ = 	snop  }
0x4: {  	_ = 	snop  }
0x5: {  	_ = 	snop  }
0x6: {  	_ = 	snop  }
0x7: {  	_ = 	snop  }
__scs_overlays_trampoline_lowered:
0x8: {  	[smem:$0x3FAC] =	sst s0  }
0x9: {  	[smem:$0x3FAD] =	sst s1  }
0xa: {  	[smem:$0x3FAE] =	sst s2  }
0xb: {  	[smem:$0x3FAF] =	sst s3  }
0xc: {  	[smem:$0x3FB0] =	sst s4  }
0xd: {  	[smem:$0x3FB1] =	sst s5  }
0xe: {  	[smem:$0x3FB2] =	sst s6  }
0xf: {  	[smem:$0x3FB3] =	sst s7  }
0x10: {  	[smem:$0x3FB4] =	sst s8  }
0x11: {  	[smem:$0x3FB5] =	sst s9;
	s0 =	simm.s32 @!p0 $0x0  }
0x12: {  	s1 =	sld [smem:$0x3F9B];
	s0 =	simm.s32 @p0 $0x1  }
0x13: {  	[smem:$0x3FB6] =	sst s0;
	s0 =	simm.s32 @!p1 $0x0  }
0x14: {  	s2 =	sld [smem:$0x3F9A];
	s0 =	simm.s32 @p1 $0x1  }
0x15: {  	[smem:$0x3FB7] =	sst s0;
	s0 =	simm.s32 @!p2 $0x0  }
0x16: {  	s3 =	sld [smem:$0x3FDB];
	s0 =	simm.s32 @p2 $0x1  }
0x17: {  	s4 =	simm.s32 $0x1BF5;
	[smem:$0x3FB9] =	sst s0  }
0x18: {  	s0 =	sld [smem:$0x3F9C];
	_ =	swait.ge [sflag:s4], $0x0  }
0x19: {  	s7 =	sld [smem:$0x3F9D]  }
0x1a: {  	s8 =	sadd.s32 $0xFFFFE003, lr  }
0x1b: {  	s9 =	sadd.s32 $0xFFFFFEF7, lr;
	s5 =	simm.s32 $0xFFFFFFFF;
	p2 =	slt.u32 s8, $0xFFFFF086  }
0x1c: {  	p1 =	slt.u32 s9, $0xF7A;
	s5 =	simm.s32 @!p2 $0x0  }
0x1d: {  	s5 =	simm.s32 @p1 $0x1;
	p0 =	seq.s32 s7, s2  }
0x1e: {  	s7 =	smul.u32 @!p0 $0xF7A, s2;
	p2 =	seq.s32 @!p0 s5, $0x0  }
0x1f: {  	s9 =	smul.u32 $0xF7A, s1;
	s8 =	simm.s32 @!p0 $0x1BF5;
	p2 =	por !p2, p0  }
0x20: {  	[sflag:s8] =	ssyncset.s32 @!p0 $0xFFFFF086;
	s6 =	sadd.s32 @!p0 s3, s7;
	s7 =	simm.s32 @!p0 $0x108  }
0x21: {  	s3 =	sadd.s32 s3, s9;
	s6 =	sadd.s32 @!p0 $0x88, s6;
	s7 =	simm.s32 @p2 $0x1082  }
0x22: {  	[simem:s7], [sflag:s8] =	dma.local @!p0 [hbm:s6], $0xF7A  }
0x23: {  	s9 =	sor.u32 $0xD0000000, s2;
	s6 =	simm.s32 $0x108;
	_ =	swait.ge @!p0 [sflag:s8], $0x0  }
0x24: {  	s3 =	sadd.s32 $0x88, s3;
	s6 =	simm.s32 @!p1 $0x1082;
	[sflag:s4] =	ssyncset.s32 $0xFFFFF086  }
0x25: {  	[simem:s6], [sflag:s4] =	dma.local [hbm:s3], $0xF7A  }
0x26: {  	[smem:$0x3F9D] =	sst s1;
	(tag) =	ssettag s2;
	_ =	strace s9  }
0x27: {  	s1 =	sld [smem:$0x3FAD]  }
0x28: {  	s2 =	sld [smem:$0x3FAE]  }
0x29: {  	s4 =	sld [smem:$0x3FB0]  }
0x2a: {  	p0 =	seq.s32 s5, $0x0;
	s5 =	sld [smem:$0x3FB1]  }
0x2b: {  	s6 =	sld [smem:$0x3FB2]  }
0x2c: {  	s7 =	sld [smem:$0x3FB3]  }
0x2d: {  	s3 =	simm.s32 $0x108;
	s8 =	sld [smem:$0x3FB4]  }
0x2e: {  	s3 =	simm.s32 @!p0 $0x1082;
	s9 =	sld [smem:$0x3FB5]  }
0x2f: {  	lr =	sadd.s32 s0, s3;
	s0 =	sld [smem:$0x3FAC]  }
0x30: {  	s3 =	sld [smem:$0x3FAF]  }
0x31: {  	[smem:$0x3FB8] =	sst s10  }
0x32: {  	s10 =	sld [smem:$0x3FB6];
	_ =	sdelay $0x3  }
0x33: {  	p0 =	seq.s32 s10, $0x1;
	s10 =	sld [smem:$0x3FB8];
	_ =	sdelay $0x3  }
0x34: {  	[smem:$0x3FB8] =	sst s10  }
0x35: {  	s10 =	sld [smem:$0x3FB7];
	_ =	sdelay $0x3  }
0x36: {  	p1 =	seq.s32 s10, $0x1;
	s10 =	sld [smem:$0x3FB8];
	_ =	sdelay $0x3  }
0x37: {  	[smem:$0x3FB8] =	sst s10  }
0x38: {  	s10 =	sld [smem:$0x3FB9]  }
0x39: {  	_ = 	snop;
	(pc) =	sbr.ind lr, $3  }
0x3a: {  	_ = 	snop  }
0x3b: {  	_ = 	snop  }
0x3c: {  	p2 =	seq.s32 s10, $0x1;
	s10 =	sld [smem:$0x3FB8]  }
0x3d: {  	_ =	shalt  }
0x3e: {  	_ =	shalt  }
0x3f: {  	_ =	shalt  }
0x40: {  	_ =	shalt  }
0x41: {  	_ =	shalt  }
0x42: {  	_ =	shalt  }
0x43: {  	_ =	shalt  }
0x44: {  	_ =	shalt  }
0x45: {  	_ =	shalt  }
0x46: {  	_ =	shalt  }
0x47: {  	_ =	shalt  }
0x48: {  	_ =	shalt  }
0x49: {  	_ =	shalt  }
0x4a: {  	_ =	shalt  }
0x4b: {  	_ =	shalt  }
0x4c: {  	_ =	shalt  }
0x4d: {  	_ =	shalt  }
0x4e: {  	_ =	shalt  }
0x4f: {  	_ =	shalt  }
0x50: {  	_ =	shalt  }
0x51: {  	_ =	shalt  }
0x52: {  	_ =	shalt  }
0x53: {  	_ =	shalt  }
0x54: {  	_ =	shalt  }
0x55: {  	_ =	shalt  }
0x56: {  	_ =	shalt  }
0x57: {  	_ =	shalt  }
0x58: {  	_ =	shalt  }
0x59: {  	_ =	shalt  }
0x5a: {  	_ =	shalt  }
0x5b: {  	_ =	shalt  }
0x5c: {  	_ =	shalt  }
0x5d: {  	_ =	shalt  }
0x5e: {  	_ =	shalt  }
0x5f: {  	_ =	shalt  }
0x60: {  	_ =	shalt  }
0x61: {  	_ =	shalt  }
0x62: {  	_ =	shalt  }
0x63: {  	_ =	shalt  }
0x64: {  	_ =	shalt  }
0x65: {  	_ =	shalt  }
0x66: {  	_ =	shalt  }
0x67: {  	_ =	shalt  }
0x68: {  	_ =	shalt  }
0x69: {  	_ =	shalt  }
0x6a: {  	_ =	shalt  }
0x6b: {  	_ =	shalt  }
0x6c: {  	_ =	shalt  }
0x6d: {  	_ =	shalt  }
0x6e: {  	_ =	shalt  }
0x6f: {  	_ =	shalt  }
0x70: {  	_ =	shalt  }
0x71: {  	_ =	shalt  }
0x72: {  	_ =	shalt  }
0x73: {  	_ =	shalt  }
0x74: {  	_ =	shalt  }
0x75: {  	_ =	shalt  }
0x76: {  	_ =	shalt  }
0x77: {  	_ =	shalt  }
0x78: {  	_ =	shalt  }
0x79: {  	_ =	shalt  }
0x7a: {  	_ =	shalt  }
0x7b: {  	_ =	shalt  }
0x7c: {  	_ =	shalt  }
0x7d: {  	_ =	shalt  }
0x7e: {  	_ =	shalt  }
0x7f: {  	_ =	shalt  }
0x80: {  	_ =	shalt  }
0x81: {  	_ =	shalt  }
0x82: {  	_ =	shalt  }
0x83: {  	_ =	shalt  }
0x84: {  	_ =	shalt  }
0x85: {  	_ =	shalt  }
0x86: {  	_ =	shalt  }
0x87: {  	_ =	shalt  }
.Lfunc_end0:
.L_simem_size_0:
called_computation.1_lowered:
.L_overlay_start_0:
0x88: {  	s2 =	sld [smem:$0x3FD9]  }
0x89: {  	s3 =	sld [smem:$0x3FFE];
	_ =	sdelay $0x1  }
0x8a: {  	s1 =	srdreg.scid  }
0x8b: {  	s0 =	sand.u32 $0x1, s1  }
0x8c: {  	s16 =	sshll.u32 s0, $0xA;
	s2 =	sadd.s32 s3, s2  }
0x8d: {  	s2 =	sadd.s32 s2, s16  }
0x8e: {  	[smem:$0x3FC4] =	sst s2  }
0x8f: {  	_ = 	snop  }
0x90: {  	(tm) =	ssettm $0x1  }
0x91: {  	s17 =	sld [smem:$0x3FFB];
	_ =	sdelay $0x3  }
0x92: {  	_ =	strace s17  }
0x93: {  	s2 =	sld [smem:$0x3FFC];
	_ =	sdelay $0x3  }
0x94: {  	_ =	strace s2  }
0x95: {  	s2 =	sld [smem:$0x3FFD];
	_ =	sdelay $0x3  }
0x96: {  	_ =	strace s2  }
0x97: {  	_ =	strace $0x8FFFFFFF  }
0x98: {  	s18 =	sld [smem:$0x3FDB];
	_ =	sdelay $0x1  }
0x99: {  	s19 =	simm.s32 $_scs_section_size  }
0x9a: {  	s4 =	simm.s32 $_size__tile_overlayer_lowered;
	s5 =	simm.s32 $_tile_overlayer_lowered  }
0x9b: {  	s22 =	simm.s32 $0x1BFF;
	s21 =	sshll.u32 s5, $0x1;
	s2 =	sadd.s32 s19, s18  }
0x9c: {  	s6 =	simm.s32 $0x0;
	s20 =	sshll.u32 s4, $0x1;
	s4 =	sadd.s32 s21, s2  }
0x9d: {  	[timem:s6], [sflag:s22] =	dma.local [hbm:s4], s20  }
0x9e: {  	_ =	swait.ge [sflag:s22], s20  }
0x9f: {  	s3 =	ssub.s32 $0x0, s20;
	[sflag:s22] =	ssyncset.done $0x0  }
0xa0: {  	[sflag:s22] =	ssyncadd.s32 s3;
	_ =	sdelay $0x1  }
0xa1: {  	s23 =	simm.s32 $0x1B8B  }
0xa2: {  	_ =	swait.ge [sflag:s23], $0x1  }
0xa3: {  	[sflag:s23] =	ssyncset.done $0x0  }
0xa4: {  	s25 =	simm.s32 $0x1B8E;
	s24 =	sld [smem:$0x3FFE];
	[sflag:s23] =	ssyncadd.s32 $0xFFFFFFFF  }
0xa5: {  	s26 =	simm.s32 $execute0_lowered;
	[smem:$0x3FD2] =	sst s25  }
0xa6: {  	s4 =	sshll.u32 s26, $0x1;
	_ =	strace $0x80000049;
	[dreg:$0x1] =	wrdreg $0xFFFFFFFF  }
0xa7: {  	s28 =	simm.s32 $_size_execute0_lowered;
	s2 =	sadd.s32 s2, s4;
	[dreg:$0x0] =	wrdreg $0x0  }
0xa8: {  	s4 =	sshll.u32 s28, $0x1;
	[dreg:$0x2] =	wrdreg s2  }
0xa9: {  	[dreg:$0x3] =	wrdreg s4  }
0xaa: {  	[dreg:$0x4] =	wrdreg $0xC0  }
0xab: {  	_ =	task [dreg:s6], $0x5FFFF  }
0xac: {  	[dreg:$0x1] =	wrdreg $0xFFFFFFFF  }
0xad: {  	[dreg:$0x0] =	wrdreg $0x60  }
0xae: {  	[dreg:$0x2] =	wrdreg s24  }
0xaf: {  	[dreg:$0x3] =	wrdreg $0x9  }
0xb0: {  	_ =	task.clear_ibuf [dreg:s6], $0x4FFFF;
	_ =	strace $0x90000049  }
0xb1: {  	s29 =	simm.s32 $0x9;
	_ =	strace $0x8000004B  }
0xb2: {  	_ =	swait.ge [sflag:s29], $0x1  }
0xb3: {  	[sflag:s29] =	ssyncadd.s32 $0xFFFFFFFF  }
0xb4: {  	_ =	strace $0x9000004B  }
0xb5: {  	_ =	sfence  }
0xb6: {  	s30 =	sld [smem:$0x0];
	_ =	sdelay $0x2  }
0xb7: {  	s31 =	sshll.u32 s1, $0xD;
	s1 =	sshrl.u32 s1, $0x2  }
0xb8: {  	s3 =	sand.u32 $0x4000, s31;
	s1 =	sadd.s32 s1, s30  }
0xb9: {  	s0 =	sor.u32 s3, s0;
	s1 =	sshll.u32 s1, $0x11  }
0xba: {  	s0 =	sor.u32 s1, s0  }
0xbb: {  	s0 =	sadd.s32 $0x8F2B, s0  }
0xbc: {  	[sflag:s0] =	ssyncadd.remote.s32 $0x1  }
0xbd: {  	_ =	sfence.sel $0xFFFF  }
0xbe: {  	[dreg:$0x0] =	wrdreg $0xFFFFFFFF;
	(pc) =	sbr.abs _section_cstart, $3  }
0xbf: {  	[dreg:$0x1] =	wrdreg $0xFFFFFFFF  }
0xc0: {  	_ =	task.clear_ibuf [dreg:s6], $0x2FFFF;
	_ =	strace $0x9FFFFFFF  }
0xc1: {  	(tm) =	ssettm $0x7FFFFFFF  }
tec
execute0_lowered:
.L_overlay_start_1:
0x0: {  	(tag) =	ssettag $0x1  }
0x1: {  	s0 =	srdreg.scid  }
0x2: {  	s4 =	rddreg [dreg:$0x0];
	s2 =	simm.s32 $0x0;
	s8 =	simm.s32 $0x4F00  }
0x3: {  	s9 =	simm.s32 $0x1;
	s10 =	simm.s32 $0x2780;
	s3 =	sand.u32 $0x1, s0  }
0x4: {  	s11 =	simm.s32 $0x7700;
	s0 =	stileid.u32;
	s1 =	sshll.u32 s3, $0x4  }
0x5: {  	s12 =	simm.s32 $0x80;
	s13 =	simm.s32 $0x400;
	s5 =	sor.u32 s0, s1  }
0x6: {  	s14 =	simm.s32 $0x0;
	[smem:$0x7FF] =	sst s2;
	s6 =	sshrl.u32 s5, $0x3  }
0x7: {  	s7 =	sshll.u32 s0, $0x7;
	s30 =	ssub.s32 $0x2, s3;
	s6 =	smul.u32 $0x14000, s6  }
0x8: {  	s3 =	sadd.s32 $0x14A00, s4;
	s1 =	rddreg [dreg:$0x1];
	s7 =	sand.u32 $0x380, s7  }
0x9: {  	s31 =	sshrl.u32 s30, $0x1;
	s5 =	smul.u32 $0x4E2, s5;
	s6 =	sor.u32 s7, s6  }
0xa: {  	_ =	strace $0x8000004A;
	s7 =	ssub.s32 s30, s31;
	s6 =	sshrl.u32 s6, $0x3  }
0xb: {  	s5 =	sadd.s32 s5, s4;
	s7 =	smax.u32 s7, $0x1;
	s6 =	sadd.s32 s6, s4  }
0xc: {  	v0 =	vimm.f32 $0.0e+00;
	s4 =	sadd.s32 $0xAC00, s5;
	s5 =	sadd.s32 $0xE00, s5;
	s6 =	sadd.s32 $0x15000, s6  }
.LBB2_1:
0xd: {  	s15 =	simm.s32 $0x7740  }
0xe: {  	[tilespmem:s15+$0xFFFFFFC0] =	vst v0  }
0xf: {  	[tilespmem:s15+$0x30] =	vst v0  }
0x10: {  	[tilespmem:s15+$0x20] =	vst v0  }
0x11: {  	[tilespmem:s15+$0x10] =	vst v0  }
0x12: {  	[tilespmem:s15+$0x0] =	vst v0  }
0x13: {  	[tilespmem:s15+$0xFFFFFFF0] =	vst v0  }
0x14: {  	s16 =	simm.s32 $0x0;
	[tilespmem:s15+$0xFFFFFFE0] =	vst v0  }
.LBB2_2:
0x15: {  	s16 =	sadd.s32 $0x80, s16;
	[tilespmem:s15+$0xFFFFFFD0] =	vst v0;
	s15 =	sadd.s32 $0x80, s15  }
0x16: {  	[tilespmem:s15+$0xFFFFFFC0] =	vst v0;
	p0 =	slt.u32 s16, $0x2780  }
0x17: {  	[tilespmem:s15+$0x30] =	vst v0  }
.Ltmp0:
0x18: {  	[tilespmem:s15+$0x20] =	vst v0;
	(pc) =	sbr.rel @p0 .LBB2_2-.Ltmp0, $4  }
0x19: {  	[tilespmem:s15+$0x10] =	vst v0  }
0x1a: {  	[tilespmem:s15+$0x0] =	vst v0  }
0x1b: {  	[tilespmem:s15+$0xFFFFFFF0] =	vst v0  }
0x1c: {  	[tilespmem:s15+$0xFFFFFFE0] =	vst v0  }
0x1d: {  	[tilespmem:s15+$0xFFFFFFD0] =	vst v0  }
0x1e: {  	[tilespmem:s8], [sflag:$0x1] =	stream.linear.gather [hbm4b:s3+s2], $0x2800, $0x38;
	[tilespmem:$0x9F00] =	vst v63  }
0x1f: {  	_ =	swait.ge [sflag:s9], $0x2800  }
0x20: {  	[sflag:s9] =	ssyncset.done $0x0  }
0x21: {  	[sflag:s9] =	ssyncadd.s32 $0xFFFFD800  }
0x22: {  	[tilespmem:s2], [sflag:$0x1] =	stream.linear.gather [hbm4b:s4+s2], $0x2710, $0x38;
	[tilespmem:$0x9F00] =	vst v63  }
0x23: {  	_ =	swait.ge [sflag:s9], $0x2710  }
0x24: {  	[sflag:s9] =	ssyncset.done $0x0  }
0x25: {  	[sflag:s9] =	ssyncadd.s32 $0xFFFFD8F0  }
0x26: {  	[tilespmem:s10], [sflag:$0x1] =	stream.linear.gather [hbm4b:s5+s2], $0x2710, $0x38;
	[tilespmem:$0x9F00] =	vst v63  }
0x27: {  	_ =	swait.ge [sflag:s9], $0x2710  }
0x28: {  	[sflag:s9] =	ssyncset.done $0x0  }
0x29: {  	s16 =	simm.s32 $0x40;
	[sflag:s9] =	ssyncadd.s32 $0xFFFFD8F0  }
0x2a: {  	v1 =	vld [tilespmem:s16+$0x30]  }
0x2b: {  	v2 =	vld [tilespmem:s16+$0xFFFFFFD0]  }
0x2c: {  	v3 =	vld [tilespmem:s16+$0xFFFFFFE0]  }
0x2d: {  	v4 =	vld [tilespmem:s16+$0xFFFFFFF0]  }
0x2e: {  	v5 =	vld [tilespmem:s16+$0x0]  }
0x2f: {  	s15 =	simm.s32 $0x27C0;
	v6 =	vld [tilespmem:s16+$0x10]  }
0x30: {  	v7 =	vld [tilespmem:s15+$0x30]  }
0x31: {  	v8 =	vld [tilespmem:s16+$0x20]  }
0x32: {  	v9 =	vld [tilespmem:s16+$0xFFFFFFC0]  }
0x33: {  	v63 =	vld [tilespmem:s15+$0xFFFFFFC0]  }
0x34: {  	v11 =	vld [tilespmem:s15+$0xFFFFFFD0]  }
0x35: {  	v12 =	vld [tilespmem:s15+$0xFFFFFFE0]  }
0x36: {  	v13 =	vld [tilespmem:s15+$0xFFFFFFF0]  }
0x37: {  	v14 =	vld [tilespmem:s15+$0x0]  }
0x38: {  	v15 =	vld [tilespmem:s15+$0x10]  }
0x39: {  	v1 =	vld.idx.msk [tilespmem:v1+s8+$0x0], $0xffff  }
0x3a: {  	v10 =	vld.idx.msk [tilespmem:v2+s8+$0x0], $0xffff  }
0x3b: {  	v3 =	vld.idx.msk [tilespmem:v3+s8+$0x0], $0xffff  }
0x3c: {  	v4 =	vld.idx.msk [tilespmem:v4+s8+$0x0], $0xffff  }
0x3d: {  	v5 =	vld.idx.msk [tilespmem:v5+s8+$0x0], $0xffff  }
0x3e: {  	v62 =	vld.idx.msk [tilespmem:v9+s8+$0x0], $0xffff  }
0x3f: {  	v6 =	vld.idx.msk [tilespmem:v6+s8+$0x0], $0xffff  }
0x40: {  	v2 =	vld [tilespmem:s15+$0x20]  }
0x41: {  	[tilespmem:v7+s11+$0x0] =	vst.idx.add.f32.msk $0xffff, v1  }
0x42: {  	v1 =	vld.idx.msk [tilespmem:v8+s8+$0x0], $0xffff  }
0x43: {  	[tilespmem:v63+s11+$0x0] =	vst.idx.add.f32.msk $0xffff, v62  }
0x44: {  	[tilespmem:v11+s11+$0x0] =	vst.idx.add.f32.msk $0xffff, v10  }
0x45: {  	[tilespmem:v12+s11+$0x0] =	vst.idx.add.f32.msk $0xffff, v3  }
0x46: {  	[tilespmem:v13+s11+$0x0] =	vst.idx.add.f32.msk $0xffff, v4  }
0x47: {  	[tilespmem:v14+s11+$0x0] =	vst.idx.add.f32.msk $0xffff, v5  }
0x48: {  	s17 =	simm.s32 $0xC0;
	s16 =	simm.s32 $0x0;
	[tilespmem:v15+s11+$0x0] =	vst.idx.add.f32.msk $0xffff, v6  }
.LBB2_4:
0x49: {  	v3 =	vld [tilespmem:s17+$0x30];
	s16 =	sadd.s32 $0x80, s16  }
0x4a: {  	v4 =	vld [tilespmem:s17+$0xFFFFFFD0];
	p0 =	slt.u32 s16, $0x2680  }
0x4b: {  	v5 =	vld [tilespmem:s17+$0xFFFFFFE0]  }
0x4c: {  	v6 =	vld [tilespmem:s17+$0xFFFFFFF0]  }
0x4d: {  	v7 =	vld [tilespmem:s17+$0x0]  }
0x4e: {  	s15 =	sadd.s32 $0x80, s15;
	v8 =	vld [tilespmem:s17+$0x10]  }
0x4f: {  	v9 =	vld [tilespmem:s15+$0x30]  }
0x50: {  	v10 =	vld [tilespmem:s17+$0x20]  }
0x51: {  	v3 =	vld.idx.msk [tilespmem:v3+s8+$0x0], $0xffff  }
0x52: {  	v11 =	vld [tilespmem:s17+$0xFFFFFFC0]  }
0x53: {  	v4 =	vld.idx.msk [tilespmem:v4+s8+$0x0], $0xffff  }
0x54: {  	v5 =	vld.idx.msk [tilespmem:v5+s8+$0x0], $0xffff  }
0x55: {  	v6 =	vld.idx.msk [tilespmem:v6+s8+$0x0], $0xffff  }
0x56: {  	v7 =	vld.idx.msk [tilespmem:v7+s8+$0x0], $0xffff  }
0x57: {  	[tilespmem:v9+s11+$0x0] =	vst.idx.add.f32.msk $0xffff, v3  }
0x58: {  	v3 =	vld.idx.msk [tilespmem:v8+s8+$0x0], $0xffff  }
0x59: {  	v8 =	vld.idx.msk [tilespmem:v10+s8+$0x0], $0xffff  }
0x5a: {  	v9 =	vld.idx.msk [tilespmem:v11+s8+$0x0], $0xffff  }
0x5b: {  	v10 =	vld [tilespmem:s15+$0xFFFFFFC0]  }
0x5c: {  	v11 =	vld [tilespmem:s15+$0xFFFFFFD0]  }
0x5d: {  	v12 =	vld [tilespmem:s15+$0xFFFFFFE0]  }
0x5e: {  	v13 =	vld [tilespmem:s15+$0xFFFFFFF0]  }
0x5f: {  	v14 =	vld [tilespmem:s15+$0x0]  }
0x60: {  	v15 =	vld [tilespmem:s15+$0x10]  }
0x61: {  	v16 =	vld [tilespmem:s15+$0x20]  }
0x62: {  	[tilespmem:v2+s11+$0x0] =	vst.idx.add.f32.msk $0xffff, v1;
	v1 =	vmov v8  }
0x63: {  	[tilespmem:v10+s11+$0x0] =	vst.idx.add.f32.msk $0xffff, v9  }
.Ltmp1:
0x64: {  	[tilespmem:v11+s11+$0x0] =	vst.idx.add.f32.msk $0xffff, v4;
	(pc) =	sbr.rel @p0 .LBB2_4-.Ltmp1, $4  }
0x65: {  	[tilespmem:v12+s11+$0x0] =	vst.idx.add.f32.msk $0xffff, v5  }
0x66: {  	[tilespmem:v13+s11+$0x0] =	vst.idx.add.f32.msk $0xffff, v6;
	v2 =	vmov v16  }
0x67: {  	[tilespmem:v14+s11+$0x0] =	vst.idx.add.f32.msk $0xffff, v7  }
0x68: {  	s17 =	sadd.s32 $0x80, s17;
	[tilespmem:v15+s11+$0x0] =	vst.idx.add.f32.msk $0xffff, v3  }
0x69: {  	_ =	sdelay $0x3  }
0x6a: {  	[tilespmem:v2+s11+$0x0] =	vst.idx.add.f32.msk $0xffff, v1  }
0x6b: {  	v1 =	vld [tilespmem:$0x2700];
	_ =	sdelay $0x4  }
0x6c: {  	v2 =	vld [tilespmem:$0x4E80];
	_ =	sdelay $0x2  }
0x6d: {  	v1 =	vld.idx.msk [tilespmem:v1+s8+$0x0], $0xffff;
	_ =	sdelay $0x2  }
0x6e: {  	s14 =	sadd.s32 $0x1, s14  }
0x6f: {  	p0 =	sne.s32 s14, s7  }
.Ltmp2:
0x70: {  	[tilespmem:v2+s11+$0x0] =	vst.idx.add.f32.msk $0xffff, v1;
	(pc) =	sbr.rel @p0 .LBB2_1-.Ltmp2, $4  }
0x71: {  	[hbm4b:s6+s12] =	stream.strided.scatter [tilespmem:s11], [sflag:$0x1], $0x2800, s13, s12, $0x38;
	[tilespmem:$0x9F00] =	vst v63  }
0x72: {  	_ =	swait.ge [sflag:s9], $0x2800  }
0x73: {  	[sflag:s9] =	ssyncset.done $0x0  }
0x74: {  	[sflag:s9] =	ssyncadd.s32 $0xFFFFD800  }
0x75: {  	_ =	sfence.sel $0x180000  }
0x76: {  	[bflag:$0x0] =	sbarrier.arrive $0xFFFF  }
0x77: {  	p0 =	sne.s32 s0, $0x0;
	_ =	strace $0x9000004A  }
0x78: {  	s0 =	sadd.s32 @!p0 $0x100000, s1;
	[bflag:$0x2] =	sbarrier.arrive $0xFFFF  }
0x79: {  	[sflag:s0] =	ssyncadd.tile.s32 @!p0 $0x1;
	_ =	shalt  }
.Lfunc_end2:
_tile_overlayer_lowered:
.L_overlay_start_2:
0x7a: {  	(tag) =	ssettag $0x2  }
0x7b: {  	s0 =	rddreg [dreg:$0x0];
	s2 =	stileid.u32  }
0x7c: {  	s1 =	rddreg [dreg:$0x1];
	p0 =	sne.s32 s2, $0x0  }
0x7d: {  	s3 =	rddreg [dreg:$0x2];
	[bflag:$0x3] =	sbarrier.arrive $0xFFFF;
	s2 =	simm.s32 @!p0 $0x1C01  }
0x7e: {  	[timem:s3], [sflag:s2] =	dma.local @!p0 [hbm:s0], s1  }
0x7f: {  	s0 =	simm.s32 @!p0 $0x1  }
0x80: {  	_ =	swait.ge @!p0 [sflag:s0], s1  }
0x81: {  	s1 =	ssub.s32 @!p0 $0x0, s1;
	[sflag:s0] =	ssyncset.done @!p0 $0x0  }
0x82: {  	[sflag:s0] =	ssyncadd.s32 @!p0 s1  }
0x83: {  	[bflag:$0x3] =	sbarrier.arrive $0xFFFF  }
0x84: {  	_ =	shalt  }

</sc_bundles>
